<compile_context>
chip_gen: v7x
topology: tpu7x:2x2x1
jax: 0.10.2.dev20260603
libtpu: 0.0.44.dev20260713+nightly
codegen_flags: <defaults>
</compile_context>

<pallas_src>
import functools

import jax
import jax.numpy as jnp
from jax import lax
from jax.experimental import pallas as pl
from jax.experimental.pallas import tpu as pltpu
from jax.experimental.pallas import tpu_sc as plsc

N_ATOMS = 524288
N_MOL = 8192
FEAT = 64
MAX_Z = 100
KDIM = 104
BN = 16384
NBN = N_ATOMS // BN

NC = 2
NS = 16
NW = NC * NS
CHUNK = N_ATOMS // NW
BLKG = 2048
NBLKG = CHUNK // BLKG


def _table_body(emb_ref, w_ref, wl_ref, b_ref, out_ref):
    w1 = w_ref[...][:, :FEAT]
    acc = lax.dot_general(
        emb_ref[...], w1, (((1,), (1,)), ((), ())),
        preferred_element_type=jnp.float32) + b_ref[...]
    ii = lax.broadcasted_iota(jnp.int32, (KDIM, FEAT), 0)
    out_ref[...] = jnp.where(
        ii < MAX_Z, acc, jnp.where(ii == MAX_Z, wl_ref[...], 0.0))


def _fused_table(emb104, w, wl2d, b2d):
    return pl.pallas_call(
        _table_body,
        out_shape=jax.ShapeDtypeStruct((KDIM, FEAT), jnp.float32),
    )(emb104, w, wl2d, b2d)


def _featurize_body(z_ref, c_ref, t_ref, out_ref):
    zb = z_ref[...][None, :]
    cb = c_ref[...][None, :]
    ii = lax.broadcasted_iota(jnp.int32, (KDIM, BN), 0)
    mtf = jnp.where(ii == zb, 1.0, 0.0) + jnp.where(ii == MAX_Z, cb, 0.0)
    mt = mtf.astype(jnp.bfloat16)
    out_t = lax.dot_general(
        t_ref[...].astype(jnp.bfloat16), mt, (((0,), (0,)), ((), ())),
        preferred_element_type=jnp.float32)
    out_ref[...] = out_t.T


def _featurize_tc(z, c_exp, tbl):
    return pl.pallas_call(
        _featurize_body,
        grid=(NBN,),
        in_specs=[
            pl.BlockSpec((BN,), lambda i: (i,)),
            pl.BlockSpec((BN,), lambda i: (i,)),
            pl.BlockSpec((KDIM, FEAT), lambda i: (0, 0)),
        ],
        out_specs=pl.BlockSpec((BN, FEAT), lambda i: (i, 0)),
        out_shape=jax.ShapeDtypeStruct((N_ATOMS, FEAT), jnp.float32),
    )(z, c_exp, tbl)


_MESH = plsc.VectorSubcoreMesh(
    core_axis_name="c", subcore_axis_name="s", num_cores=NC, num_subcores=NS)


@functools.partial(
    pl.kernel,
    out_type=jax.ShapeDtypeStruct((N_ATOMS,), jnp.float32),
    mesh=_MESH,
    scratch_types=[
        pltpu.VMEM((BLKG,), jnp.int32),
        pltpu.VMEM((BLKG,), jnp.int32),
        pltpu.VMEM((BLKG,), jnp.float32),
        pltpu.VMEM((BLKG,), jnp.float32),
        pltpu.VMEM_SHARED((N_MOL,), jnp.float32),
        pltpu.SemaphoreType.DMA,
        pltpu.SemaphoreType.DMA,
        pltpu.SemaphoreType.DMA,
        pltpu.SemaphoreType.DMA,
        pltpu.SemaphoreType.DMA,
        pltpu.SemaphoreType.DMA,
    ],
    compiler_params=pltpu.CompilerParams(needs_layout_passes=False),
)
def _sc_expand(s_hbm, chg_hbm, out_hbm,
               sv0, sv1, cv0, cv1, chg_sp,
               semS0, semS1, semG0, semG1, semO0, semO1):
    sv = (sv0, sv1)
    cv = (cv0, cv1)
    semS = (semS0, semS1)
    semG = (semG0, semG1)
    semO = (semO0, semO1)

    tid = lax.axis_index("s")
    wid = tid * NC + lax.axis_index("c")
    base = wid * CHUNK

    @pl.when(tid == 0)
    def _():
        pltpu.sync_copy(chg_hbm, chg_sp)

    plsc.subcore_barrier()

    def issue_s(blk, b):
        pltpu.async_copy(s_hbm.at[pl.ds(base + blk * BLKG, BLKG)], sv[b],
                         semS[b])

    def wait_s(blk, b):
        pltpu.make_async_copy(s_hbm.at[pl.ds(base + blk * BLKG, BLKG)],
                              sv[b], semS[b]).wait()

    issue_s(0, 0)
    issue_s(1, 1)

    @pl.loop(0, NBLKG, step=2)
    def _blocks(blk2):
        for b in range(2):
            blk = blk2 + b
            row = base + blk * BLKG

            wait_s(blk, b)
            pltpu.async_copy(chg_sp.at[sv[b]], cv[b], semG[b])
            pltpu.make_async_copy(chg_sp.at[sv[b]], cv[b], semG[b]).wait()

            @pl.when(blk >= 2)
            def _():
                prow = base + (blk - 2) * BLKG
                pltpu.make_async_copy(
                    cv[b], out_hbm.at[pl.ds(prow, BLKG)], semO[b]).wait()

            pltpu.async_copy(cv[b], out_hbm.at[pl.ds(row, BLKG)], semO[b])

            @pl.when(blk + 2 < NBLKG)
            def _():
                issue_s(blk + 2, b)

    for b in range(2):
        tail = base + (NBLKG - 2 + b) * BLKG
        pltpu.make_async_copy(
            cv[b], out_hbm.at[pl.ds(tail, BLKG)], semO[b]).wait()


def kernel(atomic_numbers, per_system_total_charge, atomic_subsystem_indices,
           emb_table, W, b):
    z = atomic_numbers.astype(jnp.int32)
    s = atomic_subsystem_indices.astype(jnp.int32)
    emb = emb_table.astype(jnp.float32)
    w = W.astype(jnp.float32)
    chg = per_system_total_charge.astype(jnp.float32)

    emb104 = jnp.pad(emb, ((0, KDIM - MAX_Z), (0, 0)))
    wl2d = w[:, FEAT].reshape(1, FEAT)
    tbl = _fused_table(emb104, w, wl2d, b.astype(jnp.float32).reshape(1, FEAT))

    c_exp = _sc_expand(s, chg)
    return _featurize_tc(z, c_exp, tbl)

# --- scband reference (transcript-rebuilt; emitter-appended) ---
"""Pipeline reference for scband-featurize-input-1855425872329 (READ-ONLY COPY).

The authoritative reference and input builder live on the scoring server;
editing this copy changes nothing except your own understanding.
"""

import jax, jax.numpy as jnp
import numpy as np

N_ATOMS = 524288
N_MOL = 8192
FEAT = 64
MAX_Z = 100


def setup_inputs(seed: int = 0) -> dict:
    key = jax.random.key(seed)
    k1, k2, k3, k4, k5, k6 = jax.random.split(key, 6)
    atomic_numbers = jax.random.randint(k1, (N_ATOMS,), 0, MAX_Z)
    per_system_total_charge = jax.random.normal(k2, (N_MOL,), dtype=jnp.float32)
    atomic_subsystem_indices = jnp.sort(jax.random.randint(k3, (N_ATOMS,), 0, N_MOL))
    emb_table = jax.random.normal(k4, (MAX_Z, FEAT), dtype=jnp.float32)
    W = jax.random.normal(k5, (FEAT, FEAT + 1), dtype=jnp.float32) * 0.05
    b = jax.random.normal(k6, (FEAT,), dtype=jnp.float32) * 0.05
    return {
        "atomic_numbers": atomic_numbers,
        "per_system_total_charge": per_system_total_charge,
        "atomic_subsystem_indices": atomic_subsystem_indices,
        "emb_table": emb_table,
        "W": W,
        "b": b,
    }


def reference(atomic_numbers, per_system_total_charge, atomic_subsystem_indices, emb_table, W, b):
    # atomic_number embedding lookup (gather)
    categorial_embedding = jnp.take(emb_table, atomic_numbers, axis=0)  # [N, FEAT]
    # AddPerMoleculeValue: counts per molecule (torch.unique return_counts equivalent
    # when all molecule ids 0..N_MOL-1 are contiguous segment ids)
    counts = jnp.bincount(atomic_subsystem_indices, length=N_MOL)
    expanded_values = jnp.repeat(per_system_total_charge, counts, total_repeat_length=N_ATOMS)[:, None]  # [N, 1]
    x = jnp.concatenate([categorial_embedding, expanded_values], axis=1)  # [N, FEAT+1]
    # DenseWithCustomDist mixing: Linear(FEAT+1 -> FEAT)
    return x @ W.T + b

if __name__ == "__main__":
    import jax
    _d = setup_inputs()
    print(jax.jit(kernel)(*tuple(_d.values())))

</pallas_src>

<mosaic_0001>
#map = affine_map<(d0, d1) -> (0)>
module attributes {stable_mosaic.version = 14 : i64} {
  func.func @_sc_expand(%arg0: i32, %arg1: i32, %arg2: memref<524288xi32, #tpu.memory_space<hbm>>, %arg3: memref<8192xf32, #tpu.memory_space<hbm>>, %arg4: memref<524288xf32, #tpu.memory_space<hbm>>, %arg5: memref<2048xi32, #tpu.memory_space<vmem>>, %arg6: memref<2048xi32, #tpu.memory_space<vmem>>, %arg7: memref<2048xf32, #tpu.memory_space<vmem>>, %arg8: memref<2048xf32, #tpu.memory_space<vmem>>, %arg9: memref<8192xf32, #tpu.memory_space<vmem_shared>>, %arg10: memref<!tpu.dma_semaphore, #tpu.memory_space<semaphore_mem>>, %arg11: memref<!tpu.dma_semaphore, #tpu.memory_space<semaphore_mem>>, %arg12: memref<!tpu.dma_semaphore, #tpu.memory_space<semaphore_mem>>, %arg13: memref<!tpu.dma_semaphore, #tpu.memory_space<semaphore_mem>>, %arg14: memref<!tpu.dma_semaphore, #tpu.memory_space<semaphore_mem>>, %arg15: memref<!tpu.dma_semaphore, #tpu.memory_space<semaphore_mem>>) attributes {dimension_semantics = [#tpu.dimension_semantics<core_parallel>, #tpu.dimension_semantics<subcore_parallel>], iteration_bounds = array<i64: 2, 16>, scalar_prefetch = 0 : i64, scratch_operands = 11 : i64, tpu.core_type = #tpu.core_type<sc_vector_subcore>, window_params = [{transform_indices = #map}, {transform_indices = #map}, {transform_indices = #map}]} {
    %mul3A = arith.constant 2 : i32
    %mul3A_0 = arith.muli %arg1, %mul3A : i32
    %add3A = arith.addi %mul3A_0, %arg0 : i32
    %mul3A_1 = arith.constant 16384 : i32
    %mul3A_2 = arith.muli %add3A, %mul3A_1 : i32
    %eq3A = arith.constant 0 : i32
    %eq3A_3 = arith.cmpi eq, %arg1, %eq3A : i32
    %convert_element_type3A = arith.extui %eq3A_3 : i1 to i32
    %cond3A = arith.constant 0 : i32
    %cond3A_4 = arith.cmpi ne, %convert_element_type3A, %cond3A : i32
    scf.if %cond3A_4 {
      "tpu.region"() ({
        %run_scoped3A = tpu.sem_alloc : memref<!tpu.dma_semaphore, #tpu.memory_space<semaphore_mem>>
        tpu.enqueue_dma source(%arg3 : memref<8192xf32, #tpu.memory_space<hbm>>) target(%arg9 : memref<8192xf32, #tpu.memory_space<vmem_shared>>) target_semaphore(%run_scoped3A : memref<!tpu.dma_semaphore, #tpu.memory_space<semaphore_mem>>)
        tpu.wait_dma2 semaphore(%run_scoped3A : memref<!tpu.dma_semaphore, #tpu.memory_space<semaphore_mem>>) src(%arg3 : memref<8192xf32, #tpu.memory_space<hbm>>) dst(%arg9 : memref<8192xf32, #tpu.memory_space<vmem_shared>>)
        tpu.yield
      }) : () -> ()
    } else {
    }
    %barrier3A = arith.constant 0 : index
    tpu.barrier barrier_id(%barrier3A)
    %add3A_5 = arith.constant 0 : i32
    %add3A_6 = arith.addi %mul3A_2, %add3A_5 : i32
    %dma_start3A = tpu.memref_slice %arg2[%add3A_6] : memref<524288xi32, #tpu.memory_space<hbm>> -> memref<2048xi32, #tpu.memory_space<hbm>>
    %dma_start3A_7 = tpu.memref_slice %arg2[%add3A_6] : memref<524288xi32, #tpu.memory_space<hbm>> -> memref<2048xi32, #tpu.memory_space<hbm>>
    tpu.enqueue_dma source(%dma_start3A_7 : memref<2048xi32, #tpu.memory_space<hbm>>) target(%arg5 : memref<2048xi32, #tpu.memory_space<vmem>>) target_semaphore(%arg10 : memref<!tpu.dma_semaphore, #tpu.memory_space<semaphore_mem>>)
    %add3A_8 = arith.constant 2048 : i32
    %add3A_9 = arith.addi %mul3A_2, %add3A_8 : i32
    %dma_start3A_10 = tpu.memref_slice %arg2[%add3A_9] : memref<524288xi32, #tpu.memory_space<hbm>> -> memref<2048xi32, #tpu.memory_space<hbm>>
    %dma_start3A_11 = tpu.memref_slice %arg2[%add3A_9] : memref<524288xi32, #tpu.memory_space<hbm>> -> memref<2048xi32, #tpu.memory_space<hbm>>
    tpu.enqueue_dma source(%dma_start3A_11 : memref<2048xi32, #tpu.memory_space<hbm>>) target(%arg6 : memref<2048xi32, #tpu.memory_space<vmem>>) target_semaphore(%arg11 : memref<!tpu.dma_semaphore, #tpu.memory_space<semaphore_mem>>)
    %scan3A = arith.constant 0 : i32
    %scan3A_12 = arith.constant 4 : i32
    %scan3A_13 = arith.addi %scan3A, %scan3A_12 : i32
    %scan3A_14 = arith.constant 1 : i32
    scf.for %scan3A_23 = %scan3A to %scan3A_13 step %scan3A_14  : i32 {
      %mul3A_24 = arith.constant 2 : i32
      %mul3A_25 = arith.muli %scan3A_23, %mul3A_24 : i32
      %add3A_26 = arith.constant 0 : i32
      %add3A_27 = arith.addi %add3A_26, %mul3A_25 : i32
      %add3A_28 = arith.constant 0 : i32
      %add3A_29 = arith.addi %add3A_27, %add3A_28 : i32
      %mul3A_30 = arith.constant 2048 : i32
      %mul3A_31 = arith.muli %add3A_29, %mul3A_30 : i32
      %add3A_32 = arith.addi %mul3A_2, %mul3A_31 : i32
      %mul3A_33 = arith.constant 2048 : i32
      %mul3A_34 = arith.muli %add3A_29, %mul3A_33 : i32
      %add3A_35 = arith.addi %mul3A_2, %mul3A_34 : i32
      %dma_wait3A_36 = tpu.memref_slice %arg2[%add3A_35] : memref<524288xi32, #tpu.memory_space<hbm>> -> memref<2048xi32, #tpu.memory_space<hbm>>
      %dma_wait3A_37 = tpu.memref_slice %arg2[%add3A_35] : memref<524288xi32, #tpu.memory_space<hbm>> -> memref<2048xi32, #tpu.memory_space<hbm>>
      tpu.wait_dma2 semaphore(%arg10 : memref<!tpu.dma_semaphore, #tpu.memory_space<semaphore_mem>>) src(%dma_wait3A_37 : memref<2048xi32, #tpu.memory_space<hbm>>) dst(%arg5 : memref<2048xi32, #tpu.memory_space<vmem>>)
      %dma_start3A_38 = arith.constant 0 : i32
      %dma_start3A_39 = tpu.memref_slice %arg9[%dma_start3A_38] : memref<8192xf32, #tpu.memory_space<vmem_shared>> -> memref<8192xf32, #tpu.memory_space<vmem_shared>>
      tpu.enqueue_indirect_dma source(%dma_start3A_39 : memref<8192xf32, #tpu.memory_space<vmem_shared>>) target(%arg7 : memref<2048xf32, #tpu.memory_space<vmem>>) offsets(%arg5 : memref<2048xi32, #tpu.memory_space<vmem>>) semaphore(%arg12 : memref<!tpu.dma_semaphore, #tpu.memory_space<semaphore_mem>>)
      %dma_wait3A_40 = arith.constant 0 : i32
      %dma_wait3A_41 = tpu.memref_slice %arg9[%dma_wait3A_40] : memref<8192xf32, #tpu.memory_space<vmem_shared>> -> memref<8192xf32, #tpu.memory_space<vmem_shared>>
      tpu.wait_indirect_dma semaphore(%arg12 : memref<!tpu.dma_semaphore, #tpu.memory_space<semaphore_mem>>) src(%dma_wait3A_41 : memref<8192xf32, #tpu.memory_space<vmem_shared>>) dst(%arg7 : memref<2048xf32, #tpu.memory_space<vmem>>)
      %ge3A = arith.constant 2 : i32
      %ge3A_42 = arith.cmpi sge, %add3A_29, %ge3A : i32
      %convert_element_type3A_43 = arith.extui %ge3A_42 : i1 to i32
      %cond3A_44 = arith.constant 0 : i32
      %cond3A_45 = arith.cmpi ne, %convert_element_type3A_43, %cond3A_44 : i32
      scf.if %cond3A_45 {
        %sub3A = arith.constant 2 : i32
        %sub3A_82 = arith.subi %add3A_29, %sub3A : i32
        %mul3A_83 = arith.constant 2048 : i32
        %mul3A_84 = arith.muli %sub3A_82, %mul3A_83 : i32
        %add3A_85 = arith.addi %mul3A_2, %mul3A_84 : i32
        %dma_wait3A_86 = tpu.memref_slice %arg4[%add3A_85] : memref<524288xf32, #tpu.memory_space<hbm>> -> memref<2048xf32, #tpu.memory_space<hbm>>
        %dma_wait3A_87 = tpu.memref_slice %arg4[%add3A_85] : memref<524288xf32, #tpu.memory_space<hbm>> -> memref<2048xf32, #tpu.memory_space<hbm>>
        tpu.wait_dma2 semaphore(%arg14 : memref<!tpu.dma_semaphore, #tpu.memory_space<semaphore_mem>>) src(%arg7 : memref<2048xf32, #tpu.memory_space<vmem>>) dst(%dma_wait3A_87 : memref<2048xf32, #tpu.memory_space<hbm>>)
      } else {
      }
      %dma_start3A_46 = tpu.memref_slice %arg4[%add3A_32] : memref<524288xf32, #tpu.memory_space<hbm>> -> memref<2048xf32, #tpu.memory_space<hbm>>
      %dma_start3A_47 = tpu.memref_slice %arg4[%add3A_32] : memref<524288xf32, #tpu.memory_space<hbm>> -> memref<2048xf32, #tpu.memory_space<hbm>>
      tpu.enqueue_dma source(%arg7 : memref<2048xf32, #tpu.memory_space<vmem>>) target(%dma_start3A_47 : memref<2048xf32, #tpu.memory_space<hbm>>) target_semaphore(%arg14 : memref<!tpu.dma_semaphore, #tpu.memory_space<semaphore_mem>>)
      %add3A_48 = arith.constant 2 : i32
      %add3A_49 = arith.addi %add3A_29, %add3A_48 : i32
      %lt3A = arith.constant 8 : i32
      %lt3A_50 = arith.cmpi slt, %add3A_49, %lt3A : i32
      %convert_element_type3A_51 = arith.extui %lt3A_50 : i1 to i32
      %cond3A_52 = arith.constant 0 : i32
      %cond3A_53 = arith.cmpi ne, %convert_element_type3A_51, %cond3A_52 : i32
      scf.if %cond3A_53 {
        %add3A_82 = arith.constant 2 : i32
        %add3A_83 = arith.addi %add3A_29, %add3A_82 : i32
        %mul3A_84 = arith.constant 2048 : i32
        %mul3A_85 = arith.muli %add3A_83, %mul3A_84 : i32
        %add3A_86 = arith.addi %mul3A_2, %mul3A_85 : i32
        %dma_start3A_87 = tpu.memref_slice %arg2[%add3A_86] : memref<524288xi32, #tpu.memory_space<hbm>> -> memref<2048xi32, #tpu.memory_space<hbm>>
        %dma_start3A_88 = tpu.memref_slice %arg2[%add3A_86] : memref<524288xi32, #tpu.memory_space<hbm>> -> memref<2048xi32, #tpu.memory_space<hbm>>
        tpu.enqueue_dma source(%dma_start3A_88 : memref<2048xi32, #tpu.memory_space<hbm>>) target(%arg5 : memref<2048xi32, #tpu.memory_space<vmem>>) target_semaphore(%arg10 : memref<!tpu.dma_semaphore, #tpu.memory_space<semaphore_mem>>)
      } else {
      }
      %add3A_54 = arith.constant 1 : i32
      %add3A_55 = arith.addi %add3A_27, %add3A_54 : i32
      %mul3A_56 = arith.constant 2048 : i32
      %mul3A_57 = arith.muli %add3A_55, %mul3A_56 : i32
      %add3A_58 = arith.addi %mul3A_2, %mul3A_57 : i32
      %mul3A_59 = arith.constant 2048 : i32
      %mul3A_60 = arith.muli %add3A_55, %mul3A_59 : i32
      %add3A_61 = arith.addi %mul3A_2, %mul3A_60 : i32
      %dma_wait3A_62 = tpu.memref_slice %arg2[%add3A_61] : memref<524288xi32, #tpu.memory_space<hbm>> -> memref<2048xi32, #tpu.memory_space<hbm>>
      %dma_wait3A_63 = tpu.memref_slice %arg2[%add3A_61] : memref<524288xi32, #tpu.memory_space<hbm>> -> memref<2048xi32, #tpu.memory_space<hbm>>
      tpu.wait_dma2 semaphore(%arg11 : memref<!tpu.dma_semaphore, #tpu.memory_space<semaphore_mem>>) src(%dma_wait3A_63 : memref<2048xi32, #tpu.memory_space<hbm>>) dst(%arg6 : memref<2048xi32, #tpu.memory_space<vmem>>)
      %dma_start3A_64 = arith.constant 0 : i32
      %dma_start3A_65 = tpu.memref_slice %arg9[%dma_start3A_64] : memref<8192xf32, #tpu.memory_space<vmem_shared>> -> memref<8192xf32, #tpu.memory_space<vmem_shared>>
      tpu.enqueue_indirect_dma source(%dma_start3A_65 : memref<8192xf32, #tpu.memory_space<vmem_shared>>) target(%arg8 : memref<2048xf32, #tpu.memory_space<vmem>>) offsets(%arg6 : memref<2048xi32, #tpu.memory_space<vmem>>) semaphore(%arg13 : memref<!tpu.dma_semaphore, #tpu.memory_space<semaphore_mem>>)
      %dma_wait3A_66 = arith.constant 0 : i32
      %dma_wait3A_67 = tpu.memref_slice %arg9[%dma_wait3A_66] : memref<8192xf32, #tpu.memory_space<vmem_shared>> -> memref<8192xf32, #tpu.memory_space<vmem_shared>>
      tpu.wait_indirect_dma semaphore(%arg13 : memref<!tpu.dma_semaphore, #tpu.memory_space<semaphore_mem>>) src(%dma_wait3A_67 : memref<8192xf32, #tpu.memory_space<vmem_shared>>) dst(%arg8 : memref<2048xf32, #tpu.memory_space<vmem>>)
      %ge3A_68 = arith.constant 2 : i32
      %ge3A_69 = arith.cmpi sge, %add3A_55, %ge3A_68 : i32
      %convert_element_type3A_70 = arith.extui %ge3A_69 : i1 to i32
      %cond3A_71 = arith.constant 0 : i32
      %cond3A_72 = arith.cmpi ne, %convert_element_type3A_70, %cond3A_71 : i32
      scf.if %cond3A_72 {
        %sub3A = arith.constant 2 : i32
        %sub3A_82 = arith.subi %add3A_55, %sub3A : i32
        %mul3A_83 = arith.constant 2048 : i32
        %mul3A_84 = arith.muli %sub3A_82, %mul3A_83 : i32
        %add3A_85 = arith.addi %mul3A_2, %mul3A_84 : i32
        %dma_wait3A_86 = tpu.memref_slice %arg4[%add3A_85] : memref<524288xf32, #tpu.memory_space<hbm>> -> memref<2048xf32, #tpu.memory_space<hbm>>
        %dma_wait3A_87 = tpu.memref_slice %arg4[%add3A_85] : memref<524288xf32, #tpu.memory_space<hbm>> -> memref<2048xf32, #tpu.memory_space<hbm>>
        tpu.wait_dma2 semaphore(%arg15 : memref<!tpu.dma_semaphore, #tpu.memory_space<semaphore_mem>>) src(%arg8 : memref<2048xf32, #tpu.memory_space<vmem>>) dst(%dma_wait3A_87 : memref<2048xf32, #tpu.memory_space<hbm>>)
      } else {
      }
      %dma_start3A_73 = tpu.memref_slice %arg4[%add3A_58] : memref<524288xf32, #tpu.memory_space<hbm>> -> memref<2048xf32, #tpu.memory_space<hbm>>
      %dma_start3A_74 = tpu.memref_slice %arg4[%add3A_58] : memref<524288xf32, #tpu.memory_space<hbm>> -> memref<2048xf32, #tpu.memory_space<hbm>>
      tpu.enqueue_dma source(%arg8 : memref<2048xf32, #tpu.memory_space<vmem>>) target(%dma_start3A_74 : memref<2048xf32, #tpu.memory_space<hbm>>) target_semaphore(%arg15 : memref<!tpu.dma_semaphore, #tpu.memory_space<semaphore_mem>>)
      %add3A_75 = arith.constant 2 : i32
      %add3A_76 = arith.addi %add3A_55, %add3A_75 : i32
      %lt3A_77 = arith.constant 8 : i32
      %lt3A_78 = arith.cmpi slt, %add3A_76, %lt3A_77 : i32
      %convert_element_type3A_79 = arith.extui %lt3A_78 : i1 to i32
      %cond3A_80 = arith.constant 0 : i32
      %cond3A_81 = arith.cmpi ne, %convert_element_type3A_79, %cond3A_80 : i32
      scf.if %cond3A_81 {
        %add3A_82 = arith.constant 2 : i32
        %add3A_83 = arith.addi %add3A_55, %add3A_82 : i32
        %mul3A_84 = arith.constant 2048 : i32
        %mul3A_85 = arith.muli %add3A_83, %mul3A_84 : i32
        %add3A_86 = arith.addi %mul3A_2, %mul3A_85 : i32
        %dma_start3A_87 = tpu.memref_slice %arg2[%add3A_86] : memref<524288xi32, #tpu.memory_space<hbm>> -> memref<2048xi32, #tpu.memory_space<hbm>>
        %dma_start3A_88 = tpu.memref_slice %arg2[%add3A_86] : memref<524288xi32, #tpu.memory_space<hbm>> -> memref<2048xi32, #tpu.memory_space<hbm>>
        tpu.enqueue_dma source(%dma_start3A_88 : memref<2048xi32, #tpu.memory_space<hbm>>) target(%arg6 : memref<2048xi32, #tpu.memory_space<vmem>>) target_semaphore(%arg11 : memref<!tpu.dma_semaphore, #tpu.memory_space<semaphore_mem>>)
      } else {
      }
    }
    %scan3A_15 = arith.constant 4 : i32
    %add3A_16 = arith.constant 12288 : i32
    %add3A_17 = arith.addi %mul3A_2, %add3A_16 : i32
    %dma_wait3A = tpu.memref_slice %arg4[%add3A_17] : memref<524288xf32, #tpu.memory_space<hbm>> -> memref<2048xf32, #tpu.memory_space<hbm>>
    %dma_wait3A_18 = tpu.memref_slice %arg4[%add3A_17] : memref<524288xf32, #tpu.memory_space<hbm>> -> memref<2048xf32, #tpu.memory_space<hbm>>
    tpu.wait_dma2 semaphore(%arg14 : memref<!tpu.dma_semaphore, #tpu.memory_space<semaphore_mem>>) src(%arg7 : memref<2048xf32, #tpu.memory_space<vmem>>) dst(%dma_wait3A_18 : memref<2048xf32, #tpu.memory_space<hbm>>)
    %add3A_19 = arith.constant 14336 : i32
    %add3A_20 = arith.addi %mul3A_2, %add3A_19 : i32
    %dma_wait3A_21 = tpu.memref_slice %arg4[%add3A_20] : memref<524288xf32, #tpu.memory_space<hbm>> -> memref<2048xf32, #tpu.memory_space<hbm>>
    %dma_wait3A_22 = tpu.memref_slice %arg4[%add3A_20] : memref<524288xf32, #tpu.memory_space<hbm>> -> memref<2048xf32, #tpu.memory_space<hbm>>
    tpu.wait_dma2 semaphore(%arg15 : memref<!tpu.dma_semaphore, #tpu.memory_space<semaphore_mem>>) src(%arg8 : memref<2048xf32, #tpu.memory_space<vmem>>) dst(%dma_wait3A_22 : memref<2048xf32, #tpu.memory_space<hbm>>)
    return
  }
}

module attributes {stable_mosaic.version = 14 : i64} {
  func.func @_table_body(%arg0: memref<104x64xf32, #tpu.memory_space<vmem>>, %arg1: memref<64x65xf32, #tpu.memory_space<vmem>>, %arg2: memref<1x64xf32, #tpu.memory_space<vmem>>, %arg3: memref<1x64xf32, #tpu.memory_space<vmem>>, %arg4: memref<104x64xf32, #tpu.memory_space<vmem>>) attributes {dimension_semantics = [], scalar_prefetch = 0 : i64, scratch_operands = 0 : i64, tpu.core_type = #tpu.core_type<tc>} {
    %get3A = arith.constant 0 : index
    %get3A_0 = arith.constant 0 : index
    %get3A_1 = vector.load %arg1[%get3A, %get3A_0] : memref<64x65xf32, #tpu.memory_space<vmem>>, vector<64x65xf32>
    %slice3A = vector.extract_strided_slice %get3A_1 {offsets = [0, 0], sizes = [64, 64], strides = [1, 1]} : vector<64x65xf32> to vector<64x64xf32>
    %get3A_2 = arith.constant 0 : index
    %get3A_3 = arith.constant 0 : index
    %get3A_4 = vector.load %arg0[%get3A_2, %get3A_3] : memref<104x64xf32, #tpu.memory_space<vmem>>, vector<104x64xf32>
    %dot_general3A = arith.constant dense<0.000000e+00> : vector<104x64xf32>
    %dot_general3A_5 = tpu.matmul %get3A_4, %slice3A, %dot_general3A {dimension_numbers = #tpu.dot_dimension_numbers<[1], [1], [0], [0], [0, 0, 1, 0], [], []>, transpose_lhs_hint = false} : vector<104x64xf32>, vector<64x64xf32>, vector<104x64xf32> -> vector<104x64xf32>
    %get3A_6 = arith.constant 0 : index
    %get3A_7 = arith.constant 0 : index
    %get3A_8 = vector.load %arg3[%get3A_6, %get3A_7] : memref<1x64xf32, #tpu.memory_space<vmem>>, vector<1x64xf32>
    %add3A = vector.broadcast %get3A_8 : vector<1x64xf32> to vector<104x64xf32>
    %add3A_9 = arith.addf %dot_general3A_5, %add3A : vector<104x64xf32>
    %iota3A = tpu.iota {dimensions = array<i32: 0>} : vector<104x64xi32>
    %lt3A = arith.constant 100 : i32
    %lt3A_10 = vector.broadcast %lt3A : i32 to vector<104x64xi32>
    %lt3A_11 = arith.cmpi slt, %iota3A, %lt3A_10 : vector<104x64xi32>
    %eq3A = arith.constant 100 : i32
    %eq3A_12 = vector.broadcast %eq3A : i32 to vector<104x64xi32>
    %eq3A_13 = arith.cmpi eq, %iota3A, %eq3A_12 : vector<104x64xi32>
    %get3A_14 = arith.constant 0 : index
    %get3A_15 = arith.constant 0 : index
    %get3A_16 = vector.load %arg2[%get3A_14, %get3A_15] : memref<1x64xf32, #tpu.memory_space<vmem>>, vector<1x64xf32>
    %jit3A = arith.constant 0.000000e+00 : f32
    %broadcast_in_dim3A = vector.shape_cast %get3A_16 : vector<1x64xf32> to vector<1x64xf32>
    %broadcast_in_dim3A_17 = vector.broadcast %broadcast_in_dim3A : vector<1x64xf32> to vector<104x64xf32>
    %broadcast_in_dim3A_18 = vector.broadcast %jit3A : f32 to vector<104x64xf32>
    %select_n3A = arith.select %eq3A_13, %broadcast_in_dim3A_17, %broadcast_in_dim3A_18 : vector<104x64xi1>, vector<104x64xf32>
    %select_n3A_19 = arith.select %lt3A_11, %add3A_9, %select_n3A : vector<104x64xi1>, vector<104x64xf32>
    %swap3A = arith.constant 0 : index
    %swap3A_20 = arith.constant 0 : index
    %swap3A_21 = vector.load %arg4[%swap3A, %swap3A_20] : memref<104x64xf32, #tpu.memory_space<vmem>>, vector<104x64xf32>
    tpu.vector_store %arg4[%swap3A, %swap3A_20], %select_n3A_19 {strides = array<i32>} : memref<104x64xf32, #tpu.memory_space<vmem>>, vector<104x64xf32>,
    return
  }
}

module attributes {stable_mosaic.version = 14 : i64} {
  func.func @_featurize_body(%arg0: i32, %arg1: memref<16384xi32, #tpu.memory_space<vmem>>, %arg2: memref<16384xf32, #tpu.memory_space<vmem>>, %arg3: memref<104x64xf32, #tpu.memory_space<vmem>>, %arg4: memref<16384x64xf32, #tpu.memory_space<vmem>>) attributes {dimension_semantics = [#tpu.dimension_semantics<arbitrary>], iteration_bounds = array<i64: 32>, scalar_prefetch = 0 : i64, scratch_operands = 0 : i64, tpu.core_type = #tpu.core_type<tc>, window_params = [{transform_indices = @transform_0, window_bounds = array<i64: 16384>}, {transform_indices = @transform_1, window_bounds = array<i64: 16384>}, {pipeline_mode = #tpu.pipeline_mode<synchronous>, transform_indices = @transform_2, window_bounds = array<i64: 104, 64>}, {transform_indices = @transform_3, window_bounds = array<i64: 16384, 64>}]} {
    %get3A = arith.constant 0 : index
    %get3A_0 = vector.load %arg1[%get3A] : memref<16384xi32, #tpu.memory_space<vmem>>, vector<16384xi32>
    %broadcast_in_dim3A = vector.shape_cast %get3A_0 : vector<16384xi32> to vector<1x16384xi32>
    %get3A_1 = arith.constant 0 : index
    %get3A_2 = vector.load %arg2[%get3A_1] : memref<16384xf32, #tpu.memory_space<vmem>>, vector<16384xf32>
    %broadcast_in_dim3A_3 = vector.shape_cast %get3A_2 : vector<16384xf32> to vector<1x16384xf32>
    %iota3A = tpu.iota {dimensions = array<i32: 0>} : vector<104x16384xi32>
    %eq3A = vector.broadcast %broadcast_in_dim3A : vector<1x16384xi32> to vector<104x16384xi32>
    %eq3A_4 = arith.cmpi eq, %iota3A, %eq3A : vector<104x16384xi32>
    %jit3A = arith.constant 1.000000e+00 : f32
    %jit3A_5 = arith.constant 0.000000e+00 : f32
    %broadcast_in_dim3A_6 = vector.broadcast %jit3A : f32 to vector<104x16384xf32>
    %broadcast_in_dim3A_7 = vector.broadcast %jit3A_5 : f32 to vector<104x16384xf32>
    %select_n3A = arith.select %eq3A_4, %broadcast_in_dim3A_6, %broadcast_in_dim3A_7 : vector<104x16384xi1>, vector<104x16384xf32>
    %eq3A_8 = arith.constant 100 : i32
    %eq3A_9 = vector.broadcast %eq3A_8 : i32 to vector<104x16384xi32>
    %eq3A_10 = arith.cmpi eq, %iota3A, %eq3A_9 : vector<104x16384xi32>
    %jit3A_11 = arith.constant 0.000000e+00 : f32
    %broadcast_in_dim3A_12 = vector.shape_cast %broadcast_in_dim3A_3 : vector<1x16384xf32> to vector<1x16384xf32>
    %broadcast_in_dim3A_13 = vector.broadcast %broadcast_in_dim3A_12 : vector<1x16384xf32> to vector<104x16384xf32>
    %broadcast_in_dim3A_14 = vector.broadcast %jit3A_11 : f32 to vector<104x16384xf32>
    %select_n3A_15 = arith.select %eq3A_10, %broadcast_in_dim3A_13, %broadcast_in_dim3A_14 : vector<104x16384xi1>, vector<104x16384xf32>
    %add3A = arith.addf %select_n3A, %select_n3A_15 : vector<104x16384xf32>
    %convert_element_type3A = arith.truncf %add3A : vector<104x16384xf32> to vector<104x16384xbf16>
    %get3A_16 = arith.constant 0 : index
    %get3A_17 = arith.constant 0 : index
    %get3A_18 = vector.load %arg3[%get3A_16, %get3A_17] : memref<104x64xf32, #tpu.memory_space<vmem>>, vector<104x64xf32>
    %convert_element_type3A_19 = arith.truncf %get3A_18 : vector<104x64xf32> to vector<104x64xbf16>
    %dot_general3A = arith.constant dense<0.000000e+00> : vector<64x16384xf32>
    %dot_general3A_20 = tpu.matmul %convert_element_type3A_19, %convert_element_type3A, %dot_general3A {dimension_numbers = #tpu.dot_dimension_numbers<[0], [0], [1], [1], [0, 1, 1, 1], [], []>, transpose_lhs_hint = false} : vector<104x64xbf16>, vector<104x16384xbf16>, vector<64x16384xf32> -> vector<64x16384xf32>
    %transpose3A = tpu.transpose %dot_general3A_20, [1, 0] : vector<64x16384xf32> -> vector<16384x64xf32>
    %swap3A = arith.constant 0 : index
    %swap3A_21 = arith.constant 0 : index
    %swap3A_22 = vector.load %arg4[%swap3A, %swap3A_21] : memref<16384x64xf32, #tpu.memory_space<vmem>>, vector<16384x64xf32>
    tpu.vector_store %arg4[%swap3A, %swap3A_21], %transpose3A {strides = array<i32>} : memref<16384x64xf32, #tpu.memory_space<vmem>>, vector<16384x64xf32>,
    return
  }
  func.func @transform_0(%arg0: i32) -> i32 {
    %c0_i32 = arith.constant 0 : i32
    return %arg0 : i32
  }
  func.func @transform_1(%arg0: i32) -> i32 {
    %c0_i32 = arith.constant 0 : i32
    return %arg0 : i32
  }
  func.func @transform_2(%arg0: i32) -> (i32, i32) {
    %c0_i32 = arith.constant 0 : i32
    %c0_i32_0 = arith.constant 0 : i32
    %c0_i32_1 = arith.constant 0 : i32
    return %c0_i32, %c0_i32_0 : i32, i32
  }
  func.func @transform_3(%arg0: i32) -> (i32, i32) {
    %c0_i32 = arith.constant 0 : i32
    %c0_i32_0 = arith.constant 0 : i32
    return %arg0, %c0_i32 : i32, i32
  }
}

</mosaic_0001>

<sc_bundles>
// kernel: kernel.5.cloned.1.call-start
scs
__scs_entry_jumppad:
0x0: {  	(pc) =	sbr.rel $0x88, $3  }
0x1: {  	(tag) =	ssettag $0x0;
	lr =	simm.s32 $0x1  }
0x2: {  	[smem:$0x3F9B] =	sst lr;
	_ =	strace $0xD0000000  }
0x3: {  	_ = 	snop  }
0x4: {  	_ = 	snop  }
0x5: {  	_ = 	snop  }
0x6: {  	_ = 	snop  }
0x7: {  	_ = 	snop  }
__scs_overlays_trampoline_lowered:
0x8: {  	[smem:$0x3FAA] =	sst s0  }
0x9: {  	[smem:$0x3FAB] =	sst s1  }
0xa: {  	[smem:$0x3FAC] =	sst s2  }
0xb: {  	[smem:$0x3FAD] =	sst s3  }
0xc: {  	[smem:$0x3FAE] =	sst s4  }
0xd: {  	[smem:$0x3FAF] =	sst s5  }
0xe: {  	[smem:$0x3FB0] =	sst s6  }
0xf: {  	[smem:$0x3FB1] =	sst s7  }
0x10: {  	[smem:$0x3FB2] =	sst s8  }
0x11: {  	[smem:$0x3FB3] =	sst s9;
	s0 =	simm.s32 @!p0 $0x0  }
0x12: {  	s1 =	sld [smem:$0x3F99];
	s0 =	simm.s32 @p0 $0x1  }
0x13: {  	[smem:$0x3FB4] =	sst s0;
	s0 =	simm.s32 @!p1 $0x0  }
0x14: {  	s2 =	sld [smem:$0x3F98];
	s0 =	simm.s32 @p1 $0x1  }
0x15: {  	[smem:$0x3FB5] =	sst s0;
	s0 =	simm.s32 @!p2 $0x0  }
0x16: {  	s3 =	sld [smem:$0x3FDB];
	s0 =	simm.s32 @p2 $0x1  }
0x17: {  	s4 =	simm.s32 $0x1BF5;
	[smem:$0x3FB7] =	sst s0  }
0x18: {  	s0 =	sld [smem:$0x3F9A];
	_ =	swait.ge [sflag:s4], $0x0  }
0x19: {  	s7 =	sld [smem:$0x3F9B]  }
0x1a: {  	s8 =	sadd.s32 $0xFFFFE003, lr  }
0x1b: {  	s9 =	sadd.s32 $0xFFFFFEF7, lr;
	s5 =	simm.s32 $0xFFFFFFFF;
	p2 =	slt.u32 s8, $0xFFFFF086  }
0x1c: {  	p1 =	slt.u32 s9, $0xF7A;
	s5 =	simm.s32 @!p2 $0x0  }
0x1d: {  	s5 =	simm.s32 @p1 $0x1;
	p0 =	seq.s32 s7, s2  }
0x1e: {  	s7 =	smul.u32 @!p0 $0xF7A, s2;
	p2 =	seq.s32 @!p0 s5, $0x0  }
0x1f: {  	s9 =	smul.u32 $0xF7A, s1;
	s8 =	simm.s32 @!p0 $0x1BF5;
	p2 =	por !p2, p0  }
0x20: {  	[sflag:s8] =	ssyncset.s32 @!p0 $0xFFFFF086;
	s6 =	sadd.s32 @!p0 s3, s7;
	s7 =	simm.s32 @!p0 $0x108  }
0x21: {  	s3 =	sadd.s32 s3, s9;
	s6 =	sadd.s32 @!p0 $0x88, s6;
	s7 =	simm.s32 @p2 $0x1082  }
0x22: {  	[simem:s7], [sflag:s8] =	dma.local @!p0 [hbm:s6], $0xF7A  }
0x23: {  	s9 =	sor.u32 $0xD0000000, s2;
	s6 =	simm.s32 $0x108;
	_ =	swait.ge @!p0 [sflag:s8], $0x0  }
0x24: {  	s3 =	sadd.s32 $0x88, s3;
	s6 =	simm.s32 @!p1 $0x1082;
	[sflag:s4] =	ssyncset.s32 $0xFFFFF086  }
0x25: {  	[simem:s6], [sflag:s4] =	dma.local [hbm:s3], $0xF7A  }
0x26: {  	[smem:$0x3F9B] =	sst s1;
	(tag) =	ssettag s2;
	_ =	strace s9  }
0x27: {  	s1 =	sld [smem:$0x3FAB]  }
0x28: {  	s2 =	sld [smem:$0x3FAC]  }
0x29: {  	s4 =	sld [smem:$0x3FAE]  }
0x2a: {  	p0 =	seq.s32 s5, $0x0;
	s5 =	sld [smem:$0x3FAF]  }
0x2b: {  	s6 =	sld [smem:$0x3FB0]  }
0x2c: {  	s7 =	sld [smem:$0x3FB1]  }
0x2d: {  	s3 =	simm.s32 $0x108;
	s8 =	sld [smem:$0x3FB2]  }
0x2e: {  	s3 =	simm.s32 @!p0 $0x1082;
	s9 =	sld [smem:$0x3FB3]  }
0x2f: {  	lr =	sadd.s32 s0, s3;
	s0 =	sld [smem:$0x3FAA]  }
0x30: {  	s3 =	sld [smem:$0x3FAD]  }
0x31: {  	[smem:$0x3FB6] =	sst s10  }
0x32: {  	s10 =	sld [smem:$0x3FB4];
	_ =	sdelay $0x3  }
0x33: {  	p0 =	seq.s32 s10, $0x1;
	s10 =	sld [smem:$0x3FB6];
	_ =	sdelay $0x3  }
0x34: {  	[smem:$0x3FB6] =	sst s10  }
0x35: {  	s10 =	sld [smem:$0x3FB5];
	_ =	sdelay $0x3  }
0x36: {  	p1 =	seq.s32 s10, $0x1;
	s10 =	sld [smem:$0x3FB6];
	_ =	sdelay $0x3  }
0x37: {  	[smem:$0x3FB6] =	sst s10  }
0x38: {  	s10 =	sld [smem:$0x3FB7]  }
0x39: {  	_ = 	snop;
	(pc) =	sbr.ind lr, $3  }
0x3a: {  	_ = 	snop  }
0x3b: {  	_ = 	snop  }
0x3c: {  	p2 =	seq.s32 s10, $0x1;
	s10 =	sld [smem:$0x3FB6]  }
0x3d: {  	_ =	shalt  }
0x3e: {  	_ =	shalt  }
0x3f: {  	_ =	shalt  }
0x40: {  	_ =	shalt  }
0x41: {  	_ =	shalt  }
0x42: {  	_ =	shalt  }
0x43: {  	_ =	shalt  }
0x44: {  	_ =	shalt  }
0x45: {  	_ =	shalt  }
0x46: {  	_ =	shalt  }
0x47: {  	_ =	shalt  }
0x48: {  	_ =	shalt  }
0x49: {  	_ =	shalt  }
0x4a: {  	_ =	shalt  }
0x4b: {  	_ =	shalt  }
0x4c: {  	_ =	shalt  }
0x4d: {  	_ =	shalt  }
0x4e: {  	_ =	shalt  }
0x4f: {  	_ =	shalt  }
0x50: {  	_ =	shalt  }
0x51: {  	_ =	shalt  }
0x52: {  	_ =	shalt  }
0x53: {  	_ =	shalt  }
0x54: {  	_ =	shalt  }
0x55: {  	_ =	shalt  }
0x56: {  	_ =	shalt  }
0x57: {  	_ =	shalt  }
0x58: {  	_ =	shalt  }
0x59: {  	_ =	shalt  }
0x5a: {  	_ =	shalt  }
0x5b: {  	_ =	shalt  }
0x5c: {  	_ =	shalt  }
0x5d: {  	_ =	shalt  }
0x5e: {  	_ =	shalt  }
0x5f: {  	_ =	shalt  }
0x60: {  	_ =	shalt  }
0x61: {  	_ =	shalt  }
0x62: {  	_ =	shalt  }
0x63: {  	_ =	shalt  }
0x64: {  	_ =	shalt  }
0x65: {  	_ =	shalt  }
0x66: {  	_ =	shalt  }
0x67: {  	_ =	shalt  }
0x68: {  	_ =	shalt  }
0x69: {  	_ =	shalt  }
0x6a: {  	_ =	shalt  }
0x6b: {  	_ =	shalt  }
0x6c: {  	_ =	shalt  }
0x6d: {  	_ =	shalt  }
0x6e: {  	_ =	shalt  }
0x6f: {  	_ =	shalt  }
0x70: {  	_ =	shalt  }
0x71: {  	_ =	shalt  }
0x72: {  	_ =	shalt  }
0x73: {  	_ =	shalt  }
0x74: {  	_ =	shalt  }
0x75: {  	_ =	shalt  }
0x76: {  	_ =	shalt  }
0x77: {  	_ =	shalt  }
0x78: {  	_ =	shalt  }
0x79: {  	_ =	shalt  }
0x7a: {  	_ =	shalt  }
0x7b: {  	_ =	shalt  }
0x7c: {  	_ =	shalt  }
0x7d: {  	_ =	shalt  }
0x7e: {  	_ =	shalt  }
0x7f: {  	_ =	shalt  }
0x80: {  	_ =	shalt  }
0x81: {  	_ =	shalt  }
0x82: {  	_ =	shalt  }
0x83: {  	_ =	shalt  }
0x84: {  	_ =	shalt  }
0x85: {  	_ =	shalt  }
0x86: {  	_ =	shalt  }
0x87: {  	_ =	shalt  }
.Lfunc_end0:
.L_simem_size_0:
called_computation_lowered:
.L_overlay_start_0:
0x88: {  	s2 =	sld [smem:$0x3FD9]  }
0x89: {  	s3 =	sld [smem:$0x3FFE];
	_ =	sdelay $0x1  }
0x8a: {  	s1 =	srdreg.scid  }
0x8b: {  	s0 =	sand.u32 $0x1, s1  }
0x8c: {  	s18 =	sshll.u32 s0, $0xA;
	s2 =	sadd.s32 s3, s2  }
0x8d: {  	s2 =	sadd.s32 s2, s18  }
0x8e: {  	[smem:$0x3FC2] =	sst s2  }
0x8f: {  	_ = 	snop  }
0x90: {  	s2 =	sld [smem:$0x3FC8]  }
0x91: {  	s19 =	sld [smem:$0x3FC7]  }
0x92: {  	s4 =	sld [smem:$0x3FD0];
	(tm) =	ssettm $0x1  }
0x93: {  	s5 =	sld [smem:$0x3FFB];
	_ =	sdelay $0x3  }
0x94: {  	_ =	strace s5  }
0x95: {  	s5 =	sld [smem:$0x3FFC];
	_ =	sdelay $0x3  }
0x96: {  	_ =	strace s5  }
0x97: {  	s5 =	sld [smem:$0x3FFD];
	_ =	sdelay $0x3  }
0x98: {  	_ =	strace s5  }
0x99: {  	_ =	strace $0x8FFFFFFF  }
0x9a: {  	s20 =	sld [smem:$0x3FDB];
	_ =	sdelay $0x1  }
0x9b: {  	s6 =	simm.s32 $_scs_section_size  }
0x9c: {  	s7 =	simm.s32 $_size__tile_overlayer_lowered;
	s8 =	simm.s32 $_tile_overlayer_lowered  }
0x9d: {  	s23 =	simm.s32 $0x1BFF;
	s22 =	sshll.u32 s8, $0x1;
	s5 =	sadd.s32 s6, s20  }
0x9e: {  	s9 =	simm.s32 $0x0;
	s21 =	sshll.u32 s7, $0x1;
	s7 =	sadd.s32 s22, s5  }
0x9f: {  	[timem:s9], [sflag:s23] =	dma.local [hbm:s7], s21  }
0xa0: {  	_ =	swait.ge [sflag:s23], s21  }
0xa1: {  	s6 =	ssub.s32 $0x0, s21;
	[sflag:s23] =	ssyncset.done $0x0  }
0xa2: {  	[sflag:s23] =	ssyncadd.s32 s6;
	_ =	sdelay $0x1  }
0xa3: {  	s24 =	simm.s32 $0x1B8B  }
0xa4: {  	_ =	swait.ge [sflag:s24], $0x1  }
0xa5: {  	[sflag:s24] =	ssyncset.done $0x0  }
0xa6: {  	s25 =	simm.s32 $0x1B8E;
	[sflag:s24] =	ssyncadd.s32 $0xFFFFFFFF  }
0xa7: {  	s26 =	simm.s32 $execute0_lowered;
	[smem:$0x3FD2] =	sst s25  }
0xa8: {  	s6 =	sshll.u32 s26, $0x1;
	_ =	strace $0x80000046;
	[dreg:$0x1] =	wrdreg $0xFFFFFFFF  }
0xa9: {  	s28 =	simm.s32 $_size_execute0_lowered;
	s5 =	sadd.s32 s5, s6;
	[dreg:$0x0] =	wrdreg $0x0  }
0xaa: {  	s6 =	sshll.u32 s28, $0x1;
	[dreg:$0x2] =	wrdreg s5  }
0xab: {  	[dreg:$0x3] =	wrdreg s6  }
0xac: {  	[dreg:$0x4] =	wrdreg $0xC0  }
0xad: {  	_ =	task [dreg:s9], $0x5FFFF  }
0xae: {  	[dreg:$0x1] =	wrdreg $0xFFFFFFFF  }
0xaf: {  	[dreg:$0x0] =	wrdreg $0x60  }
0xb0: {  	[dreg:$0x2] =	wrdreg s19  }
0xb1: {  	[dreg:$0x3] =	wrdreg s2  }
0xb2: {  	[dreg:$0x4] =	wrdreg s4  }
0xb3: {  	[dreg:$0x5] =	wrdreg $0x20000  }
0xb4: {  	[dreg:$0x6] =	wrdreg $0x9  }
0xb5: {  	_ =	task.clear_ibuf [dreg:s9], $0x7FFFF;
	_ =	strace $0x90000046  }
0xb6: {  	s29 =	simm.s32 $0x9;
	_ =	strace $0x80000048  }
0xb7: {  	_ =	swait.ge [sflag:s29], $0x1  }
0xb8: {  	[sflag:s29] =	ssyncadd.s32 $0xFFFFFFFF  }
0xb9: {  	_ =	strace $0x90000048  }
0xba: {  	_ =	sfence  }
0xbb: {  	s30 =	sld [smem:$0x0];
	_ =	sdelay $0x2  }
0xbc: {  	s31 =	sshll.u32 s1, $0xD;
	s1 =	sshrl.u32 s1, $0x2  }
0xbd: {  	s3 =	sand.u32 $0x4000, s31;
	s1 =	sadd.s32 s1, s30  }
0xbe: {  	s0 =	sor.u32 s3, s0;
	s1 =	sshll.u32 s1, $0x11  }
0xbf: {  	s0 =	sor.u32 s1, s0  }
0xc0: {  	s0 =	sadd.s32 $0x8F2B, s0  }
0xc1: {  	[sflag:s0] =	ssyncadd.remote.s32 $0x1  }
0xc2: {  	_ =	sfence.sel $0xFFFF  }
0xc3: {  	[dreg:$0x0] =	wrdreg $0xFFFFFFFF;
	(pc) =	sbr.abs _section_cstart, $3  }
0xc4: {  	[dreg:$0x1] =	wrdreg $0xFFFFFFFF  }
0xc5: {  	_ =	task.clear_ibuf [dreg:s9], $0x2FFFF;
	_ =	strace $0x9FFFFFFF  }
0xc6: {  	(tm) =	ssettm $0x7FFFFFFF  }
0xc7: {  	_ =	shalt  }
tec
execute0_lowered:
.L_overlay_start_1:
0x0: {  	(tag) =	ssettag $0x1  }
0x1: {  	s28 =	rddreg [dreg:$0x0]  }
0x2: {  	s0 =	rddreg [dreg:$0x1]  }
0x3: {  	s31 =	rddreg [dreg:$0x2]  }
0x4: {  	s1 =	rddreg [dreg:$0x3]  }
0x5: {  	s2 =	srdreg.scid;
	s4 =	stileid.u32  }
0x6: {  	[dreg:$0x5] =	wrdreg s0;
	s25 =	sand.u32 $0x1, s2;
	s2 =	simm.s32 $0x0  }
0x7: {  	s3 =	sshll.u32 s4, $0xC;
	[dreg:$0x7] =	wrdreg s25;
	s5 =	sshll.u32 s25, $0xB  }
0x8: {  	[smem:$0x7FF] =	sst s2;
	s29 =	sor.u32 s5, s3  }
0x9: {  	p0 =	sne.s32 s4, $0x0;
	_ =	strace $0x80000047;
	s3 =	sadd.s32 s28, s29  }
0xa: {  	s4 =	sshrl.u32 @!p0 s1, $0x3;
	s7 =	rddreg [dreg:$0x5];
	s26 =	sadd.s32 $0x100, s3  }
0xb: {  	s6 =	simm.s32 @!p0 $0x7;
	s5 =	simm.s32 @!p0 $0x1C07;
	[dreg:$0x6] =	wrdreg s26  }
0xc: {  	[spmem:s4], [sflag:s5] =	dma.local @!p0 [hbm:s7], $0x400  }
0xd: {  	_ =	swait.ge @!p0 [sflag:s6], $0x400  }
0xe: {  	[sflag:s6] =	ssyncset.done @!p0 $0x0  }
0xf: {  	[sflag:s6] =	ssyncadd.s32 @!p0 $0xFFFFFC00  }
0x10: {  	[bflag:$0x0] =	sbarrier.arrive $0xFFFF  }
0x11: {  	[tilespmem:s2], [sflag:$0x1] =	stream.linear.gather [hbm4b:s3+s2], $0x800, $0x38;
	[tilespmem:$0x2200] =	vst v63  }
0x12: {  	s8 =	simm.s32 $0x1;
	s7 =	simm.s32 $0x800;
	s9 =	rddreg [dreg:$0x6]  }
0x13: {  	[tilespmem:s7], [sflag:$0x2] =	stream.linear.gather [hbm4b:s9+s2], $0x800, $0x38;
	[tilespmem:$0x2200] =	vst v63  }
0x14: {  	_ =	swait.ge [sflag:s8], $0x800  }
0x15: {  	[sflag:s8] =	ssyncset.done $0x0  }
0x16: {  	s10 =	simm.s32 $0x3;
	s9 =	simm.s32 $0x1000;
	[sflag:s8] =	ssyncadd.s32 $0xFFFFF800  }
0x17: {  	[tilespmem:s9], [sflag:$0x3] =	stream.indirect.gather [spmem:s1], $0x1, s2, s7, $0xb8;
	[tilespmem:$0x2200] =	vst v63  }
0x18: {  	_ =	swait.ge [sflag:s10], $0x800  }
0x19: {  	[sflag:s10] =	ssyncset.done $0x0  }
0x1a: {  	s11 =	sadd.s32 s31, s29;
	s19 =	sor.u32 $0x200, s29;
	[sflag:s10] =	ssyncadd.s32 $0xFFFFF800  }
0x1b: {  	[hbm4b:s11+s2] =	stream.linear.scatter [tilespmem:s9], [sflag:$0x5], $0x800, $0x38;
	[tilespmem:$0x2200] =	vst v63  }
0x1c: {  	s13 =	simm.s32 $0x2;
	s12 =	sadd.s32 s28, s19  }
0x1d: {  	[tilespmem:s2], [sflag:$0x1] =	stream.linear.gather [hbm4b:s12+s2], $0x800, $0x38;
	[tilespmem:$0x2200] =	vst v63  }
0x1e: {  	_ =	swait.ge [sflag:s13], $0x800  }
0x1f: {  	[sflag:s13] =	ssyncset.done $0x0  }
0x20: {  	s14 =	simm.s32 $0x1800;
	s15 =	simm.s32 $0x4;
	[sflag:s13] =	ssyncadd.s32 $0xFFFFF800  }
0x21: {  	[tilespmem:s14], [sflag:$0x4] =	stream.indirect.gather [spmem:s1], $0x1, s7, s7, $0xb8;
	[tilespmem:$0x2200] =	vst v63  }
0x22: {  	_ =	swait.ge [sflag:s15], $0x800  }
0x23: {  	[sflag:s15] =	ssyncset.done $0x0  }
0x24: {  	s22 =	sor.u32 $0x300, s29;
	s16 =	sadd.s32 $0x100, s11;
	[sflag:s15] =	ssyncadd.s32 $0xFFFFF800  }
0x25: {  	[hbm4b:s16+s2] =	stream.linear.scatter [tilespmem:s14], [sflag:$0x6], $0x800, $0x38;
	[tilespmem:$0x2200] =	vst v63  }
0x26: {  	s17 =	sadd.s32 s28, s22  }
0x27: {  	[tilespmem:s7], [sflag:$0x2] =	stream.linear.gather [hbm4b:s17+s2], $0x800, $0x38;
	[tilespmem:$0x2200] =	vst v63  }
0x28: {  	_ =	swait.ge [sflag:s8], $0x800  }
0x29: {  	[sflag:s8] =	ssyncset.done $0x0  }
0x2a: {  	[sflag:s8] =	ssyncadd.s32 $0xFFFFF800  }
0x2b: {  	[tilespmem:s9], [sflag:$0x3] =	stream.indirect.gather [spmem:s1], $0x1, s2, s7, $0xb8;
	[tilespmem:$0x2200] =	vst v63  }
0x2c: {  	_ =	swait.ge [sflag:s10], $0x800  }
0x2d: {  	[sflag:s10] =	ssyncset.done $0x0  }
0x2e: {  	s18 =	simm.s32 $0x5;
	[sflag:s10] =	ssyncadd.s32 $0xFFFFF800  }
0x2f: {  	_ =	swait.ge [sflag:s18], $0x800  }
0x30: {  	[sflag:s18] =	ssyncset.done $0x0  }
0x31: {  	s24 =	sor.u32 $0x400, s29;
	s19 =	sadd.s32 s31, s19;
	[sflag:s18] =	ssyncadd.s32 $0xFFFFF800  }
0x32: {  	[hbm4b:s19+s2] =	stream.linear.scatter [tilespmem:s9], [sflag:$0x5], $0x800, $0x38;
	[tilespmem:$0x2200] =	vst v63  }
0x33: {  	s20 =	sadd.s32 s28, s24  }
0x34: {  	[tilespmem:s2], [sflag:$0x1] =	stream.linear.gather [hbm4b:s20+s2], $0x800, $0x38;
	[tilespmem:$0x2200] =	vst v63  }
0x35: {  	_ =	swait.ge [sflag:s13], $0x800  }
0x36: {  	[sflag:s13] =	ssyncset.done $0x0  }
0x37: {  	[sflag:s13] =	ssyncadd.s32 $0xFFFFF800  }
0x38: {  	[tilespmem:s14], [sflag:$0x4] =	stream.indirect.gather [spmem:s1], $0x1, s7, s7, $0xb8;
	[tilespmem:$0x2200] =	vst v63  }
0x39: {  	_ =	swait.ge [sflag:s15], $0x800  }
0x3a: {  	[sflag:s15] =	ssyncset.done $0x0  }
0x3b: {  	s21 =	simm.s32 $0x6;
	[sflag:s15] =	ssyncadd.s32 $0xFFFFF800  }
0x3c: {  	_ =	swait.ge [sflag:s21], $0x800  }
0x3d: {  	[sflag:s21] =	ssyncset.done $0x0  }
0x3e: {  	s22 =	sadd.s32 s31, s22;
	s26 =	sor.u32 $0x500, s29;
	[sflag:s21] =	ssyncadd.s32 $0xFFFFF800  }
0x3f: {  	[hbm4b:s22+s2] =	stream.linear.scatter [tilespmem:s14], [sflag:$0x6], $0x800, $0x38;
	[tilespmem:$0x2200] =	vst v63  }
0x40: {  	s23 =	sadd.s32 s28, s26  }
0x41: {  	[tilespmem:s7], [sflag:$0x2] =	stream.linear.gather [hbm4b:s23+s2], $0x800, $0x38;
	[tilespmem:$0x2200] =	vst v63  }
0x42: {  	_ =	swait.ge [sflag:s8], $0x800  }
0x43: {  	[sflag:s8] =	ssyncset.done $0x0  }
0x44: {  	[sflag:s8] =	ssyncadd.s32 $0xFFFFF800  }
0x45: {  	[tilespmem:s9], [sflag:$0x3] =	stream.indirect.gather [spmem:s1], $0x1, s2, s7, $0xb8;
	[tilespmem:$0x2200] =	vst v63  }
0x46: {  	_ =	swait.ge [sflag:s10], $0x800  }
0x47: {  	[sflag:s10] =	ssyncset.done $0x0  }
0x48: {  	[sflag:s10] =	ssyncadd.s32 $0xFFFFF800  }
0x49: {  	_ =	swait.ge [sflag:s18], $0x800  }
0x4a: {  	[sflag:s18] =	ssyncset.done $0x0  }
0x4b: {  	s30 =	sor.u32 $0x600, s29;
	s24 =	sadd.s32 s31, s24;
	[sflag:s18] =	ssyncadd.s32 $0xFFFFF800  }
0x4c: {  	[hbm4b:s24+s2] =	stream.linear.scatter [tilespmem:s9], [sflag:$0x5], $0x800, $0x38;
	[tilespmem:$0x2200] =	vst v63  }
0x4d: {  	s25 =	sadd.s32 s28, s30  }
0x4e: {  	[tilespmem:s2], [sflag:$0x1] =	stream.linear.gather [hbm4b:s25+s2], $0x800, $0x38;
	[tilespmem:$0x2200] =	vst v63  }
0x4f: {  	_ =	swait.ge [sflag:s13], $0x800  }
0x50: {  	[sflag:s13] =	ssyncset.done $0x0  }
0x51: {  	[sflag:s13] =	ssyncadd.s32 $0xFFFFF800  }
0x52: {  	[tilespmem:s14], [sflag:$0x4] =	stream.indirect.gather [spmem:s1], $0x1, s7, s7, $0xb8;
	[tilespmem:$0x2200] =	vst v63  }
0x53: {  	_ =	swait.ge [sflag:s15], $0x800  }
0x54: {  	[sflag:s15] =	ssyncset.done $0x0  }
0x55: {  	[sflag:s15] =	ssyncadd.s32 $0xFFFFF800  }
0x56: {  	_ =	swait.ge [sflag:s21], $0x800  }
0x57: {  	[sflag:s21] =	ssyncset.done $0x0  }
0x58: {  	s0 =	sor.u32 $0x700, s29;
	s26 =	sadd.s32 s31, s26;
	[sflag:s21] =	ssyncadd.s32 $0xFFFFF800  }
0x59: {  	[hbm4b:s26+s2] =	stream.linear.scatter [tilespmem:s14], [sflag:$0x6], $0x800, $0x38;
	[tilespmem:$0x2200] =	vst v63  }
0x5a: {  	s28 =	sadd.s32 s28, s0  }
0x5b: {  	[tilespmem:s7], [sflag:$0x2] =	stream.linear.gather [hbm4b:s28+s2], $0x800, $0x38;
	[tilespmem:$0x2200] =	vst v63  }
0x5c: {  	_ =	swait.ge [sflag:s8], $0x800  }
0x5d: {  	[sflag:s8] =	ssyncset.done $0x0  }
0x5e: {  	[sflag:s8] =	ssyncadd.s32 $0xFFFFF800  }
0x5f: {  	[tilespmem:s9], [sflag:$0x3] =	stream.indirect.gather [spmem:s1], $0x1, s2, s7, $0xb8;
	[tilespmem:$0x2200] =	vst v63  }
0x60: {  	_ =	swait.ge [sflag:s10], $0x800  }
0x61: {  	[sflag:s10] =	ssyncset.done $0x0  }
0x62: {  	[sflag:s10] =	ssyncadd.s32 $0xFFFFF800  }
0x63: {  	_ =	swait.ge [sflag:s18], $0x800  }
0x64: {  	[sflag:s18] =	ssyncset.done $0x0  }
0x65: {  	s29 =	sadd.s32 s31, s30;
	[sflag:s18] =	ssyncadd.s32 $0xFFFFF800  }
0x66: {  	[hbm4b:s29+s2] =	stream.linear.scatter [tilespmem:s9], [sflag:$0x5], $0x800, $0x38;
	[tilespmem:$0x2200] =	vst v63  }
0x67: {  	_ =	swait.ge [sflag:s13], $0x800  }
0x68: {  	[sflag:s13] =	ssyncset.done $0x0  }
0x69: {  	[sflag:s13] =	ssyncadd.s32 $0xFFFFF800  }
0x6a: {  	[tilespmem:s14], [sflag:$0x4] =	stream.indirect.gather [spmem:s1], $0x1, s7, s7, $0xb8;
	[tilespmem:$0x2200] =	vst v63  }
0x6b: {  	_ =	swait.ge [sflag:s15], $0x800  }
0x6c: {  	[sflag:s15] =	ssyncset.done $0x0  }
0x6d: {  	[sflag:s15] =	ssyncadd.s32 $0xFFFFF800  }
0x6e: {  	_ =	swait.ge [sflag:s21], $0x800  }
0x6f: {  	s30 =	sadd.s32 s31, s0;
	[sflag:s21] =	ssyncset.done $0x0;
	s0 =	rddreg [dreg:$0x7]  }
0x70: {  	s0 =	ssub.s32 $0x2, s0;
	[sflag:s21] =	ssyncadd.s32 $0xFFFFF800  }
0x71: {  	[hbm4b:s30+s2] =	stream.linear.scatter [tilespmem:s14], [sflag:$0x6], $0x800, $0x38;
	[tilespmem:$0x2200] =	vst v63  }
0x72: {  	s31 =	sshrl.u32 s0, $0x1  }
0x73: {  	s0 =	ssub.s32 s0, s31  }
0x74: {  	s0 =	smax.u32 s0, $0x1  }
0x75: {  	s31 =	sadd.s32 $0xFFFFFFFF, s0  }
0x76: {  	p1 =	sne.s32 s31, $0x0  }
.Ltmp0:
0x77: {  	_ =	swait.ge [sflag:s18], $0x800;
	(pc) =	sbr.rel @!p1 .LBB2_2-.Ltmp0, $4  }
0x78: {  	[sflag:s18] =	ssyncset.done $0x0  }
0x79: {  	[sflag:s18] =	ssyncadd.s32 $0xFFFFF800  }
0x7a: {  	_ =	swait.ge [sflag:s21], $0x800  }
0x7b: {  	[sflag:s21] =	ssyncset.done $0x0  }
.LBB2_1:
0x7c: {  	s0 =	rddreg [dreg:$0x5];
	[sflag:s21] =	ssyncadd.s32 $0xFFFFF800  }
0x7d: {  	[spmem:s4], [sflag:s5] =	dma.local @!p0 [hbm:s0], $0x400  }
0x7e: {  	_ =	swait.ge @!p0 [sflag:s6], $0x400  }
0x7f: {  	[sflag:s6] =	ssyncset.done @!p0 $0x0  }
0x80: {  	[sflag:s6] =	ssyncadd.s32 @!p0 $0xFFFFFC00  }
0x81: {  	[bflag:$0x0] =	sbarrier.arrive $0xFFFF  }
0x82: {  	[tilespmem:s2], [sflag:$0x1] =	stream.linear.gather [hbm4b:s3+s2], $0x800, $0x38;
	[tilespmem:$0x2200] =	vst v63  }
0x83: {  	s0 =	rddreg [dreg:$0x6]  }
0x84: {  	[tilespmem:s7], [sflag:$0x2] =	stream.linear.gather [hbm4b:s0+s2], $0x800, $0x38;
	[tilespmem:$0x2200] =	vst v63  }
0x85: {  	_ =	swait.ge [sflag:s8], $0x800  }
0x86: {  	[sflag:s8] =	ssyncset.done $0x0  }
0x87: {  	[sflag:s8] =	ssyncadd.s32 $0xFFFFF800  }
0x88: {  	[tilespmem:s9], [sflag:$0x3] =	stream.indirect.gather [spmem:s1], $0x1, s2, s7, $0xb8;
	[tilespmem:$0x2200] =	vst v63  }
0x89: {  	_ =	swait.ge [sflag:s10], $0x800  }
0x8a: {  	[sflag:s10] =	ssyncset.done $0x0  }
0x8b: {  	[sflag:s10] =	ssyncadd.s32 $0xFFFFF800  }
0x8c: {  	[hbm4b:s11+s2] =	stream.linear.scatter [tilespmem:s9], [sflag:$0x5], $0x800, $0x38;
	[tilespmem:$0x2200] =	vst v63  }
0x8d: {  	_ = 	snop  }
0x8e: {  	[tilespmem:s2], [sflag:$0x1] =	stream.linear.gather [hbm4b:s12+s2], $0x800, $0x38;
	[tilespmem:$0x2200] =	vst v63  }
0x8f: {  	_ =	swait.ge [sflag:s13], $0x800  }
0x90: {  	[sflag:s13] =	ssyncset.done $0x0  }
0x91: {  	[sflag:s13] =	ssyncadd.s32 $0xFFFFF800  }
0x92: {  	[tilespmem:s14], [sflag:$0x4] =	stream.indirect.gather [spmem:s1], $0x1, s7, s7, $0xb8;
	[tilespmem:$0x2200] =	vst v63  }
0x93: {  	_ =	swait.ge [sflag:s15], $0x800  }
0x94: {  	[sflag:s15] =	ssyncset.done $0x0  }
0x95: {  	[sflag:s15] =	ssyncadd.s32 $0xFFFFF800  }
0x96: {  	[hbm4b:s16+s2] =	stream.linear.scatter [tilespmem:s14], [sflag:$0x6], $0x800, $0x38;
	[tilespmem:$0x2200] =	vst v63  }
0x97: {  	_ = 	snop  }
0x98: {  	[tilespmem:s7], [sflag:$0x2] =	stream.linear.gather [hbm4b:s17+s2], $0x800, $0x38;
	[tilespmem:$0x2200] =	vst v63  }
0x99: {  	_ =	swait.ge [sflag:s8], $0x800  }
0x9a: {  	[sflag:s8] =	ssyncset.done $0x0  }
0x9b: {  	[sflag:s8] =	ssyncadd.s32 $0xFFFFF800  }
0x9c: {  	[tilespmem:s9], [sflag:$0x3] =	stream.indirect.gather [spmem:s1], $0x1, s2, s7, $0xb8;
	[tilespmem:$0x2200] =	vst v63  }
0x9d: {  	_ =	swait.ge [sflag:s10], $0x800  }
0x9e: {  	[sflag:s10] =	ssyncset.done $0x0  }
0x9f: {  	[sflag:s10] =	ssyncadd.s32 $0xFFFFF800  }
0xa0: {  	_ =	swait.ge [sflag:s18], $0x800  }
0xa1: {  	[sflag:s18] =	ssyncset.done $0x0  }
0xa2: {  	[sflag:s18] =	ssyncadd.s32 $0xFFFFF800  }
0xa3: {  	[hbm4b:s19+s2] =	stream.linear.scatter [tilespmem:s9], [sflag:$0x5], $0x800, $0x38;
	[tilespmem:$0x2200] =	vst v63  }
0xa4: {  	_ = 	snop  }
0xa5: {  	[tilespmem:s2], [sflag:$0x1] =	stream.linear.gather [hbm4b:s20+s2], $0x800, $0x38;
	[tilespmem:$0x2200] =	vst v63  }
0xa6: {  	_ =	swait.ge [sflag:s13], $0x800  }
0xa7: {  	[sflag:s13] =	ssyncset.done $0x0  }
0xa8: {  	[sflag:s13] =	ssyncadd.s32 $0xFFFFF800  }
0xa9: {  	[tilespmem:s14], [sflag:$0x4] =	stream.indirect.gather [spmem:s1], $0x1, s7, s7, $0xb8;
	[tilespmem:$0x2200] =	vst v63  }
0xaa: {  	_ =	swait.ge [sflag:s15], $0x800  }
0xab: {  	[sflag:s15] =	ssyncset.done $0x0  }
0xac: {  	[sflag:s15] =	ssyncadd.s32 $0xFFFFF800  }
0xad: {  	_ =	swait.ge [sflag:s21], $0x800  }
0xae: {  	[sflag:s21] =	ssyncset.done $0x0  }
0xaf: {  	[sflag:s21] =	ssyncadd.s32 $0xFFFFF800  }
0xb0: {  	[hbm4b:s22+s2] =	stream.linear.scatter [tilespmem:s14], [sflag:$0x6], $0x800, $0x38;
	[tilespmem:$0x2200] =	vst v63  }
0xb1: {  	_ = 	snop  }
0xb2: {  	[tilespmem:s7], [sflag:$0x2] =	stream.linear.gather [hbm4b:s23+s2], $0x800, $0x38;
	[tilespmem:$0x2200] =	vst v63  }
0xb3: {  	_ =	swait.ge [sflag:s8], $0x800  }
0xb4: {  	[sflag:s8] =	ssyncset.done $0x0  }
0xb5: {  	[sflag:s8] =	ssyncadd.s32 $0xFFFFF800  }
0xb6: {  	[tilespmem:s9], [sflag:$0x3] =	stream.indirect.gather [spmem:s1], $0x1, s2, s7, $0xb8;
	[tilespmem:$0x2200] =	vst v63  }
0xb7: {  	_ =	swait.ge [sflag:s10], $0x800  }
0xb8: {  	[sflag:s10] =	ssyncset.done $0x0  }
0xb9: {  	[sflag:s10] =	ssyncadd.s32 $0xFFFFF800  }
0xba: {  	_ =	swait.ge [sflag:s18], $0x800  }
0xbb: {  	[sflag:s18] =	ssyncset.done $0x0  }
0xbc: {  	[sflag:s18] =	ssyncadd.s32 $0xFFFFF800  }
0xbd: {  	[hbm4b:s24+s2] =	stream.linear.scatter [tilespmem:s9], [sflag:$0x5], $0x800, $0x38;
	[tilespmem:$0x2200] =	vst v63  }
0xbe: {  	_ = 	snop  }
0xbf: {  	[tilespmem:s2], [sflag:$0x1] =	stream.linear.gather [hbm4b:s25+s2], $0x800, $0x38;
	[tilespmem:$0x2200] =	vst v63  }
0xc0: {  	_ =	swait.ge [sflag:s13], $0x800  }
0xc1: {  	[sflag:s13] =	ssyncset.done $0x0  }
0xc2: {  	[sflag:s13] =	ssyncadd.s32 $0xFFFFF800  }
0xc3: {  	[tilespmem:s14], [sflag:$0x4] =	stream.indirect.gather [spmem:s1], $0x1, s7, s7, $0xb8;
	[tilespmem:$0x2200] =	vst v63  }
0xc4: {  	_ =	swait.ge [sflag:s15], $0x800  }
0xc5: {  	[sflag:s15] =	ssyncset.done $0x0  }
0xc6: {  	[sflag:s15] =	ssyncadd.s32 $0xFFFFF800  }
0xc7: {  	_ =	swait.ge [sflag:s21], $0x800  }
0xc8: {  	[sflag:s21] =	ssyncset.done $0x0  }
0xc9: {  	[sflag:s21] =	ssyncadd.s32 $0xFFFFF800  }
0xca: {  	[hbm4b:s26+s2] =	stream.linear.scatter [tilespmem:s14], [sflag:$0x6], $0x800, $0x38;
	[tilespmem:$0x2200] =	vst v63  }
0xcb: {  	_ = 	snop  }
0xcc: {  	[tilespmem:s7], [sflag:$0x2] =	stream.linear.gather [hbm4b:s28+s2], $0x800, $0x38;
	[tilespmem:$0x2200] =	vst v63  }
0xcd: {  	_ =	swait.ge [sflag:s8], $0x800  }
0xce: {  	[sflag:s8] =	ssyncset.done $0x0  }
0xcf: {  	[sflag:s8] =	ssyncadd.s32 $0xFFFFF800  }
0xd0: {  	[tilespmem:s9], [sflag:$0x3] =	stream.indirect.gather [spmem:s1], $0x1, s2, s7, $0xb8;
	[tilespmem:$0x2200] =	vst v63  }
0xd1: {  	_ =	swait.ge [sflag:s10], $0x800  }
0xd2: {  	[sflag:s10] =	ssyncset.done $0x0  }
0xd3: {  	[sflag:s10] =	ssyncadd.s32 $0xFFFFF800  }
0xd4: {  	_ =	swait.ge [sflag:s18], $0x800  }
0xd5: {  	[sflag:s18] =	ssyncset.done $0x0  }
0xd6: {  	[sflag:s18] =	ssyncadd.s32 $0xFFFFF800  }
0xd7: {  	[hbm4b:s29+s2] =	stream.linear.scatter [tilespmem:s9], [sflag:$0x5], $0x800, $0x38;
	[tilespmem:$0x2200] =	vst v63  }
0xd8: {  	_ =	swait.ge [sflag:s13], $0x800  }
0xd9: {  	[sflag:s13] =	ssyncset.done $0x0  }
0xda: {  	[sflag:s13] =	ssyncadd.s32 $0xFFFFF800  }
0xdb: {  	[tilespmem:s14], [sflag:$0x4] =	stream.indirect.gather [spmem:s1], $0x1, s7, s7, $0xb8;
	[tilespmem:$0x2200] =	vst v63  }
0xdc: {  	_ =	swait.ge [sflag:s15], $0x800  }
0xdd: {  	[sflag:s15] =	ssyncset.done $0x0  }
0xde: {  	[sflag:s15] =	ssyncadd.s32 $0xFFFFF800  }
0xdf: {  	_ =	swait.ge [sflag:s21], $0x800  }
0xe0: {  	s31 =	sadd.s32 $0xFFFFFFFF, s31;
	[sflag:s21] =	ssyncset.done $0x0  }
0xe1: {  	p1 =	sne.s32 s31, $0x0;
	[sflag:s21] =	ssyncadd.s32 $0xFFFFF800  }
0xe2: {  	[hbm4b:s30+s2] =	stream.linear.scatter [tilespmem:s14], [sflag:$0x6], $0x800, $0x38;
	[tilespmem:$0x2200] =	vst v63  }
.Ltmp1:
0xe3: {  	_ =	swait.ge [sflag:s18], $0x800;
	(pc) =	sbr.rel @p1 .LBB2_1-.Ltmp1, $4  }
0xe4: {  	[sflag:s18] =	ssyncset.done $0x0  }
0xe5: {  	[sflag:s18] =	ssyncadd.s32 $0xFFFFF800  }
0xe6: {  	_ =	swait.ge [sflag:s21], $0x800  }
0xe7: {  	[sflag:s21] =	ssyncset.done $0x0  }
.LBB2_2:
0xe8: {  	[sflag:s21] =	ssyncadd.s32 $0xFFFFF800  }
0xe9: {  	_ =	sfence.sel $0x180000  }
0xea: {  	[bflag:$0x0] =	sbarrier.arrive $0xFFFF  }
0xeb: {  	_ =	strace $0x90000047  }
0xec: {  	[bflag:$0x2] =	sbarrier.arrive $0xFFFF  }
0xed: {  	s0 =	rddreg [dreg:$0x4]  }
0xee: {  	s0 =	sadd.s32 @!p0 $0x100000, s0  }
0xef: {  	[sflag:s0] =	ssyncadd.tile.s32 @!p0 $0x1;
	_ =	shalt  }
.Lfunc_end2:
_tile_overlayer_lowered:
.L_overlay_start_2:
0xf0: {  	(tag) =	ssettag $0x2  }
0xf1: {  	s0 =	rddreg [dreg:$0x0];
	s2 =	stileid.u32  }
0xf2: {  	s1 =	rddreg [dreg:$0x1];
	p0 =	sne.s32 s2, $0x0  }
0xf3: {  	s3 =	rddreg [dreg:$0x2];
	[bflag:$0x3] =	sbarrier.arrive $0xFFFF;
	s2 =	simm.s32 @!p0 $0x1C07  }
0xf4: {  	[timem:s3], [sflag:s2] =	dma.local @!p0 [hbm:s0], s1  }
0xf5: {  	s0 =	simm.s32 @!p0 $0x7  }
0xf6: {  	_ =	swait.ge @!p0 [sflag:s0], s1  }
0xf7: {  	s1 =	ssub.s32 @!p0 $0x0, s1;
	[sflag:s0] =	ssyncset.done @!p0 $0x0  }
0xf8: {  	[sflag:s0] =	ssyncadd.s32 @!p0 s1  }
0xf9: {  	[bflag:$0x3] =	sbarrier.arrive $0xFFFF  }
0xfa: {  	_ =	shalt  }

</sc_bundles>
